<compile_context>
chip_gen: v7x
topology: tpu7x:2x2x1
jax: 0.10.2.dev20260603
libtpu: 0.0.44.dev20260713+nightly
codegen_flags: <defaults>
</compile_context>

<pallas_src>
import jax
import jax.numpy as jnp
from jax.experimental import pallas as pl
from jax.experimental.pallas import tpu as pltpu
from jax.experimental.pallas import tpu_sc as plsc

BLK = 64


def _sc_gather(data, idx, subrows):
    n_rows, row_dim = data.shape
    value_dim = row_dim // subrows
    data_v = data.reshape(n_rows * subrows, value_dim)
    n = idx.shape[0]
    idx_v = (
        idx[:, None] * subrows + jnp.arange(subrows, dtype=jnp.int32)[None, :]
    ).reshape(-1)
    out = _sc_gather_raw(data_v, idx_v)
    return out.reshape(n, row_dim)


def _sc_gather_raw(data, idx):
    n_out = idx.shape[0]
    value_dim = data.shape[1]
    nw = 32
    b_per_w = n_out // nw
    mesh = plsc.VectorSubcoreMesh(core_axis_name="c", subcore_axis_name="s")

    @pl.kernel(
        out_type=jax.ShapeDtypeStruct((n_out, value_dim), data.dtype),
        mesh=mesh,
        scratch_types=[
            pltpu.VMEM((b_per_w,), jnp.int32),
            pltpu.VMEM((b_per_w, value_dim), data.dtype),
            pltpu.SemaphoreType.DMA,
        ],
    )
    def gather_kernel(x_hbm, i_hbm, o_hbm, idx_v, rows_v, sem):
        wid = jax.lax.axis_index("s") * 2 + jax.lax.axis_index("c")
        base = wid * b_per_w
        pltpu.sync_copy(i_hbm.at[pl.ds(base, b_per_w)], idx_v)
        pltpu.async_copy(x_hbm.at[idx_v], rows_v, sem).wait()
        pltpu.sync_copy(rows_v, o_hbm.at[pl.ds(base, b_per_w)])

    return gather_kernel(data, idx)


def _mlp_body(be_ref, x_ref, w1_ref, b1_ref, w2_ref, b2_ref, o_ref):
    h = jnp.maximum(
        jnp.dot(x_ref[...], w1_ref[0], preferred_element_type=jnp.float32)
        + b1_ref[0],
        0.0,
    )
    o = jnp.dot(h, w2_ref[0], preferred_element_type=jnp.float32) + b2_ref[0]
    norm = jnp.sqrt(jnp.sum(o * o, axis=1, keepdims=True))
    o_ref[...] = o / jnp.maximum(norm, 1e-12)


def kernel(eeg_emb, subject_ids, W1, b1, W2, b2):
    B, eeg_dim = eeg_emb.shape
    S, _, clip_dim = W1.shape
    NB = B // BLK + S + 1
    P = NB * BLK

    dest = jnp.arange(B, dtype=jnp.int32)
    src_for_slot = jnp.arange(P, dtype=jnp.int32) % B
    be_arr = (jnp.arange(NB, dtype=jnp.int32) * 0) + subject_ids.astype(jnp.int32)[0]

    x_sorted = jnp.take(eeg_emb, src_for_slot, axis=0)

    b1r = b1.reshape(S, 1, clip_dim)
    b2r = b2.reshape(S, 1, clip_dim)
    grid_spec = pltpu.PrefetchScalarGridSpec(
        num_scalar_prefetch=1,
        grid=(NB,),
        in_specs=[
            pl.BlockSpec((BLK, eeg_dim), lambda i, be: (i, 0)),
            pl.BlockSpec((1, eeg_dim, clip_dim), lambda i, be: (be[i], 0, 0)),
            pl.BlockSpec((1, 1, clip_dim), lambda i, be: (be[i], 0, 0)),
            pl.BlockSpec((1, clip_dim, clip_dim), lambda i, be: (be[i], 0, 0)),
            pl.BlockSpec((1, 1, clip_dim), lambda i, be: (be[i], 0, 0)),
        ],
        out_specs=pl.BlockSpec((BLK, clip_dim), lambda i, be: (i, 0)),
    )
    o_sorted = pl.pallas_call(
        _mlp_body,
        grid_spec=grid_spec,
        out_shape=jax.ShapeDtypeStruct((P, clip_dim), jnp.float32),
    )(be_arr, x_sorted, W1, b1r, W2, b2r)

    out = jnp.take(o_sorted, dest, axis=0)
    return out

# --- scband reference (transcript-rebuilt; emitter-appended) ---
"""Pipeline reference for scband-subject-specific-projection-72739566125853 (READ-ONLY COPY).

The authoritative reference and input builder live on the scoring server;
editing this copy changes nothing except your own understanding.
"""

import jax, jax.numpy as jnp
import numpy as np


def setup_inputs(seed: int = 0) -> dict:
    key = jax.random.key(seed)
    k1, k2, k3, k4 = jax.random.split(key, 4)
    B, eeg_dim, clip_dim, S = 1024, 256, 512, 13
    eeg_emb = jax.random.normal(k1, (B, eeg_dim), dtype=jnp.float32)
    subject_ids = jax.random.randint(k2, (B,), 0, S, dtype=jnp.int64) if jax.config.jax_enable_x64 else jax.random.randint(k2, (B,), 0, S, dtype=jnp.int32)
    # Per-subject head parameters: Linear(eeg->clip), ReLU, Linear(clip->clip)
    W1 = jax.random.normal(k3, (S, eeg_dim, clip_dim), dtype=jnp.float32) * (1.0 / np.sqrt(eeg_dim))
    b1 = jnp.zeros((S, clip_dim), dtype=jnp.float32)
    W2 = jax.random.normal(k4, (S, clip_dim, clip_dim), dtype=jnp.float32) * (1.0 / np.sqrt(clip_dim))
    b2 = jnp.zeros((S, clip_dim), dtype=jnp.float32)
    return {"eeg_emb": eeg_emb, "subject_ids": subject_ids, "W1": W1, "b1": b1, "W2": W2, "b2": b2}


def reference(eeg_emb, subject_ids, W1, b1, W2, b2):
    # Faithful translation: per-subject expert head applied to masked token subsets,
    # results scatter-combined into the output buffer, then L2-normalized.
    B = eeg_emb.shape[0]
    clip_dim = W2.shape[-1]
    num_subjects = W1.shape[0]
    out = jnp.zeros((B, clip_dim), dtype=eeg_emb.dtype)
    for s in range(num_subjects):
        mask = (subject_ids == s)
        h = jax.nn.relu(eeg_emb @ W1[s] + b1[s])
        o = h @ W2[s] + b2[s]
        out = jnp.where(mask[:, None], o, out)
    # F.normalize(p=2, dim=1, eps=1e-12)
    norm = jnp.linalg.norm(out, ord=2, axis=1, keepdims=True)
    return out / jnp.maximum(norm, 1e-12)

if __name__ == "__main__":
    import jax
    _d = setup_inputs()
    print(jax.jit(kernel)(*tuple(_d.values())))

</pallas_src>

<mosaic_0001>
module attributes {stable_mosaic.version = 14 : i64} {
  func.func @_mlp_body(%arg0: i32, %arg1: memref<30xi32, #tpu.memory_space<smem>>, %arg2: memref<64x256xf32, #tpu.memory_space<vmem>>, %arg3: memref<1x256x512xf32, #tpu.memory_space<vmem>>, %arg4: memref<1x1x512xf32, #tpu.memory_space<vmem>>, %arg5: memref<1x512x512xf32, #tpu.memory_space<vmem>>, %arg6: memref<1x1x512xf32, #tpu.memory_space<vmem>>, %arg7: memref<64x512xf32, #tpu.memory_space<vmem>>) attributes {dimension_semantics = [#tpu.dimension_semantics<arbitrary>], iteration_bounds = array<i64: 30>, scalar_prefetch = 1 : i64, scratch_operands = 0 : i64, tpu.core_type = #tpu.core_type<tc>, window_params = [{transform_indices = @transform_0, window_bounds = array<i64: 64, 256>}, {transform_indices = @transform_1, window_bounds = array<i64: 1, 256, 512>}, {transform_indices = @transform_2, window_bounds = array<i64: 1, 1, 512>}, {transform_indices = @transform_3, window_bounds = array<i64: 1, 512, 512>}, {transform_indices = @transform_4, window_bounds = array<i64: 1, 1, 512>}, {transform_indices = @transform_5, window_bounds = array<i64: 64, 512>}]} {
    %get3A = arith.constant 0 : index
    %get3A_0 = arith.constant 0 : index
    %get3A_1 = vector.load %arg2[%get3A, %get3A_0] : memref<64x256xf32, #tpu.memory_space<vmem>>, vector<64x256xf32>
    %get3A_2 = arith.constant 0 : index
    %get3A_3 = arith.constant 0 : index
    %get3A_4 = arith.constant 0 : index
    %get3A_5 = vector.load %arg3[%get3A_2, %get3A_3, %get3A_4] : memref<1x256x512xf32, #tpu.memory_space<vmem>>, vector<1x256x512xf32>
    %get3A_6 = vector.shape_cast %get3A_5 : vector<1x256x512xf32> to vector<256x512xf32>
    %dot_general3A = arith.constant dense<0.000000e+00> : vector<64x512xf32>
    %dot_general3A_7 = tpu.matmul %get3A_1, %get3A_6, %dot_general3A {dimension_numbers = #tpu.dot_dimension_numbers<[1], [0], [0], [1], [0, 0, 1, 1], [], []>, transpose_lhs_hint = false} : vector<64x256xf32>, vector<256x512xf32>, vector<64x512xf32> -> vector<64x512xf32>
    %get3A_8 = arith.constant 0 : index
    %get3A_9 = arith.constant 0 : index
    %get3A_10 = arith.constant 0 : index
    %get3A_11 = vector.load %arg4[%get3A_8, %get3A_9, %get3A_10] : memref<1x1x512xf32, #tpu.memory_space<vmem>>, vector<1x1x512xf32>
    %get3A_12 = vector.shape_cast %get3A_11 : vector<1x1x512xf32> to vector<1x512xf32>
    %add3A = vector.broadcast %get3A_12 : vector<1x512xf32> to vector<64x512xf32>
    %add3A_13 = arith.addf %dot_general3A_7, %add3A : vector<64x512xf32>
    %max3A = arith.constant 0.000000e+00 : f32
    %max3A_14 = vector.broadcast %max3A : f32 to vector<64x512xf32>
    %max3A_15 = arith.maximumf %add3A_13, %max3A_14 : vector<64x512xf32>
    %get3A_16 = arith.constant 0 : index
    %get3A_17 = arith.constant 0 : index
    %get3A_18 = arith.constant 0 : index
    %get3A_19 = vector.load %arg5[%get3A_16, %get3A_17, %get3A_18] : memref<1x512x512xf32, #tpu.memory_space<vmem>>, vector<1x512x512xf32>
    %get3A_20 = vector.shape_cast %get3A_19 : vector<1x512x512xf32> to vector<512x512xf32>
    %dot_general3A_21 = arith.constant dense<0.000000e+00> : vector<64x512xf32>
    %dot_general3A_22 = tpu.matmul %max3A_15, %get3A_20, %dot_general3A_21 {dimension_numbers = #tpu.dot_dimension_numbers<[1], [0], [0], [1], [0, 0, 1, 1], [], []>, transpose_lhs_hint = false} : vector<64x512xf32>, vector<512x512xf32>, vector<64x512xf32> -> vector<64x512xf32>
    %get3A_23 = arith.constant 0 : index
    %get3A_24 = arith.constant 0 : index
    %get3A_25 = arith.constant 0 : index
    %get3A_26 = vector.load %arg6[%get3A_23, %get3A_24, %get3A_25] : memref<1x1x512xf32, #tpu.memory_space<vmem>>, vector<1x1x512xf32>
    %get3A_27 = vector.shape_cast %get3A_26 : vector<1x1x512xf32> to vector<1x512xf32>
    %add3A_28 = vector.broadcast %get3A_27 : vector<1x512xf32> to vector<64x512xf32>
    %add3A_29 = arith.addf %dot_general3A_22, %add3A_28 : vector<64x512xf32>
    %mul3A = arith.mulf %add3A_29, %add3A_29 : vector<64x512xf32>
    %reduce_sum3A = arith.constant dense<0.000000e+00> : vector<64xf32>
    %reduce_sum3A_30 = vector.multi_reduction <add>, %mul3A, %reduce_sum3A [1] : vector<64x512xf32> to vector<64xf32>
    %broadcast_in_dim3A = vector.shape_cast %reduce_sum3A_30 : vector<64xf32> to vector<64x1xf32>
    %sqrt3A = math.sqrt %broadcast_in_dim3A : vector<64x1xf32>
    %max3A_31 = arith.constant 9.99999996E-13 : f32
    %max3A_32 = vector.broadcast %max3A_31 : f32 to vector<64x1xf32>
    %max3A_33 = arith.maximumf %sqrt3A, %max3A_32 : vector<64x1xf32>
    %div3A = vector.broadcast %max3A_33 : vector<64x1xf32> to vector<64x512xf32>
    %div3A_34 = arith.divf %add3A_29, %div3A : vector<64x512xf32>
    %swap3A = arith.constant 0 : index
    %swap3A_35 = arith.constant 0 : index
    %swap3A_36 = vector.load %arg7[%swap3A, %swap3A_35] : memref<64x512xf32, #tpu.memory_space<vmem>>, vector<64x512xf32>
    tpu.vector_store %arg7[%swap3A, %swap3A_35], %div3A_34 {strides = array<i32>} : memref<64x512xf32, #tpu.memory_space<vmem>>, vector<64x512xf32>,
    return
  }
  func.func @transform_0(%arg0: i32, %arg1: memref<30xi32, #tpu.memory_space<smem>>) -> (i32, i32) {
    %c0_i32 = arith.constant 0 : i32
    %c0_i32_0 = arith.constant 0 : i32
    return %arg0, %c0_i32 : i32, i32
  }
  func.func @transform_1(%arg0: i32, %arg1: memref<30xi32, #tpu.memory_space<smem>>) -> (i32, i32, i32) {
    %get3A = arith.index_cast %arg0 : i32 to index
    %get3A_0 = memref.load %arg1[%get3A] : memref<30xi32, #tpu.memory_space<smem>>
    %c0_i32 = arith.constant 0 : i32
    %c0_i32_1 = arith.constant 0 : i32
    %c0_i32_2 = arith.constant 0 : i32
    return %get3A_0, %c0_i32, %c0_i32_1 : i32, i32, i32
  }
  func.func @transform_2(%arg0: i32, %arg1: memref<30xi32, #tpu.memory_space<smem>>) -> (i32, i32, i32) {
    %get3A = arith.index_cast %arg0 : i32 to index
    %get3A_0 = memref.load %arg1[%get3A] : memref<30xi32, #tpu.memory_space<smem>>
    %c0_i32 = arith.constant 0 : i32
    %c0_i32_1 = arith.constant 0 : i32
    %c0_i32_2 = arith.constant 0 : i32
    return %get3A_0, %c0_i32, %c0_i32_1 : i32, i32, i32
  }
  func.func @transform_3(%arg0: i32, %arg1: memref<30xi32, #tpu.memory_space<smem>>) -> (i32, i32, i32) {
    %get3A = arith.index_cast %arg0 : i32 to index
    %get3A_0 = memref.load %arg1[%get3A] : memref<30xi32, #tpu.memory_space<smem>>
    %c0_i32 = arith.constant 0 : i32
    %c0_i32_1 = arith.constant 0 : i32
    %c0_i32_2 = arith.constant 0 : i32
    return %get3A_0, %c0_i32, %c0_i32_1 : i32, i32, i32
  }
  func.func @transform_4(%arg0: i32, %arg1: memref<30xi32, #tpu.memory_space<smem>>) -> (i32, i32, i32) {
    %get3A = arith.index_cast %arg0 : i32 to index
    %get3A_0 = memref.load %arg1[%get3A] : memref<30xi32, #tpu.memory_space<smem>>
    %c0_i32 = arith.constant 0 : i32
    %c0_i32_1 = arith.constant 0 : i32
    %c0_i32_2 = arith.constant 0 : i32
    return %get3A_0, %c0_i32, %c0_i32_1 : i32, i32, i32
  }
  func.func @transform_5(%arg0: i32, %arg1: memref<30xi32, #tpu.memory_space<smem>>) -> (i32, i32) {
    %c0_i32 = arith.constant 0 : i32
    %c0_i32_0 = arith.constant 0 : i32
    return %arg0, %c0_i32 : i32, i32
  }
}

</mosaic_0001>

<sc_bundles>
// kernel: gather_offload_async_start
scs
__scs_entry_jumppad:
0x0: {  	(pc) =	sbr.rel $0x88, $3  }
0x1: {  	(tag) =	ssettag $0x0;
	lr =	simm.s32 $0x1  }
0x2: {  	[smem:$0x3F9B] =	sst lr;
	_ =	strace $0xD0000000  }
0x3: {  	_ = 	snop  }
0x4: {  	_ = 	snop  }
0x5: {  	_ = 	snop  }
0x6: {  	_ = 	snop  }
0x7: {  	_ = 	snop  }
__scs_overlays_trampoline_lowered:
0x8: {  	[smem:$0x3FAA] =	sst s0  }
0x9: {  	[smem:$0x3FAB] =	sst s1  }
0xa: {  	[smem:$0x3FAC] =	sst s2  }
0xb: {  	[smem:$0x3FAD] =	sst s3  }
0xc: {  	[smem:$0x3FAE] =	sst s4  }
0xd: {  	[smem:$0x3FAF] =	sst s5  }
0xe: {  	[smem:$0x3FB0] =	sst s6  }
0xf: {  	[smem:$0x3FB1] =	sst s7  }
0x10: {  	[smem:$0x3FB2] =	sst s8  }
0x11: {  	[smem:$0x3FB3] =	sst s9;
	s0 =	simm.s32 @!p0 $0x0  }
0x12: {  	s1 =	sld [smem:$0x3F99];
	s0 =	simm.s32 @p0 $0x1  }
0x13: {  	[smem:$0x3FB4] =	sst s0;
	s0 =	simm.s32 @!p1 $0x0  }
0x14: {  	s2 =	sld [smem:$0x3F98];
	s0 =	simm.s32 @p1 $0x1  }
0x15: {  	[smem:$0x3FB5] =	sst s0;
	s0 =	simm.s32 @!p2 $0x0  }
0x16: {  	s3 =	sld [smem:$0x3FDB];
	s0 =	simm.s32 @p2 $0x1  }
0x17: {  	s4 =	simm.s32 $0x1BF5;
	[smem:$0x3FB7] =	sst s0  }
0x18: {  	s0 =	sld [smem:$0x3F9A];
	_ =	swait.ge [sflag:s4], $0x0  }
0x19: {  	s7 =	sld [smem:$0x3F9B]  }
0x1a: {  	s8 =	sadd.s32 $0xFFFFE003, lr  }
0x1b: {  	s9 =	sadd.s32 $0xFFFFFEF7, lr;
	s5 =	simm.s32 $0xFFFFFFFF;
	p2 =	slt.u32 s8, $0xFFFFF086  }
0x1c: {  	p1 =	slt.u32 s9, $0xF7A;
	s5 =	simm.s32 @!p2 $0x0  }
0x1d: {  	s5 =	simm.s32 @p1 $0x1;
	p0 =	seq.s32 s7, s2  }
0x1e: {  	s7 =	smul.u32 @!p0 $0xF7A, s2;
	p2 =	seq.s32 @!p0 s5, $0x0  }
0x1f: {  	s9 =	smul.u32 $0xF7A, s1;
	s8 =	simm.s32 @!p0 $0x1BF5;
	p2 =	por !p2, p0  }
0x20: {  	[sflag:s8] =	ssyncset.s32 @!p0 $0xFFFFF086;
	s6 =	sadd.s32 @!p0 s3, s7;
	s7 =	simm.s32 @!p0 $0x108  }
0x21: {  	s3 =	sadd.s32 s3, s9;
	s6 =	sadd.s32 @!p0 $0x88, s6;
	s7 =	simm.s32 @p2 $0x1082  }
0x22: {  	[simem:s7], [sflag:s8] =	dma.local @!p0 [hbm:s6], $0xF7A  }
0x23: {  	s9 =	sor.u32 $0xD0000000, s2;
	s6 =	simm.s32 $0x108;
	_ =	swait.ge @!p0 [sflag:s8], $0x0  }
0x24: {  	s3 =	sadd.s32 $0x88, s3;
	s6 =	simm.s32 @!p1 $0x1082;
	[sflag:s4] =	ssyncset.s32 $0xFFFFF086  }
0x25: {  	[simem:s6], [sflag:s4] =	dma.local [hbm:s3], $0xF7A  }
0x26: {  	[smem:$0x3F9B] =	sst s1;
	(tag) =	ssettag s2;
	_ =	strace s9  }
0x27: {  	s1 =	sld [smem:$0x3FAB]  }
0x28: {  	s2 =	sld [smem:$0x3FAC]  }
0x29: {  	s4 =	sld [smem:$0x3FAE]  }
0x2a: {  	p0 =	seq.s32 s5, $0x0;
	s5 =	sld [smem:$0x3FAF]  }
0x2b: {  	s6 =	sld [smem:$0x3FB0]  }
0x2c: {  	s7 =	sld [smem:$0x3FB1]  }
0x2d: {  	s3 =	simm.s32 $0x108;
	s8 =	sld [smem:$0x3FB2]  }
0x2e: {  	s3 =	simm.s32 @!p0 $0x1082;
	s9 =	sld [smem:$0x3FB3]  }
0x2f: {  	lr =	sadd.s32 s0, s3;
	s0 =	sld [smem:$0x3FAA]  }
0x30: {  	s3 =	sld [smem:$0x3FAD]  }
0x31: {  	[smem:$0x3FB6] =	sst s10  }
0x32: {  	s10 =	sld [smem:$0x3FB4];
	_ =	sdelay $0x3  }
0x33: {  	p0 =	seq.s32 s10, $0x1;
	s10 =	sld [smem:$0x3FB6];
	_ =	sdelay $0x3  }
0x34: {  	[smem:$0x3FB6] =	sst s10  }
0x35: {  	s10 =	sld [smem:$0x3FB5];
	_ =	sdelay $0x3  }
0x36: {  	p1 =	seq.s32 s10, $0x1;
	s10 =	sld [smem:$0x3FB6];
	_ =	sdelay $0x3  }
0x37: {  	[smem:$0x3FB6] =	sst s10  }
0x38: {  	s10 =	sld [smem:$0x3FB7]  }
0x39: {  	_ = 	snop;
	(pc) =	sbr.ind lr, $3  }
0x3a: {  	_ = 	snop  }
0x3b: {  	_ = 	snop  }
0x3c: {  	p2 =	seq.s32 s10, $0x1;
	s10 =	sld [smem:$0x3FB6]  }
0x3d: {  	_ =	shalt  }
0x3e: {  	_ =	shalt  }
0x3f: {  	_ =	shalt  }
0x40: {  	_ =	shalt  }
0x41: {  	_ =	shalt  }
0x42: {  	_ =	shalt  }
0x43: {  	_ =	shalt  }
0x44: {  	_ =	shalt  }
0x45: {  	_ =	shalt  }
0x46: {  	_ =	shalt  }
0x47: {  	_ =	shalt  }
0x48: {  	_ =	shalt  }
0x49: {  	_ =	shalt  }
0x4a: {  	_ =	shalt  }
0x4b: {  	_ =	shalt  }
0x4c: {  	_ =	shalt  }
0x4d: {  	_ =	shalt  }
0x4e: {  	_ =	shalt  }
0x4f: {  	_ =	shalt  }
0x50: {  	_ =	shalt  }
0x51: {  	_ =	shalt  }
0x52: {  	_ =	shalt  }
0x53: {  	_ =	shalt  }
0x54: {  	_ =	shalt  }
0x55: {  	_ =	shalt  }
0x56: {  	_ =	shalt  }
0x57: {  	_ =	shalt  }
0x58: {  	_ =	shalt  }
0x59: {  	_ =	shalt  }
0x5a: {  	_ =	shalt  }
0x5b: {  	_ =	shalt  }
0x5c: {  	_ =	shalt  }
0x5d: {  	_ =	shalt  }
0x5e: {  	_ =	shalt  }
0x5f: {  	_ =	shalt  }
0x60: {  	_ =	shalt  }
0x61: {  	_ =	shalt  }
0x62: {  	_ =	shalt  }
0x63: {  	_ =	shalt  }
0x64: {  	_ =	shalt  }
0x65: {  	_ =	shalt  }
0x66: {  	_ =	shalt  }
0x67: {  	_ =	shalt  }
0x68: {  	_ =	shalt  }
0x69: {  	_ =	shalt  }
0x6a: {  	_ =	shalt  }
0x6b: {  	_ =	shalt  }
0x6c: {  	_ =	shalt  }
0x6d: {  	_ =	shalt  }
0x6e: {  	_ =	shalt  }
0x6f: {  	_ =	shalt  }
0x70: {  	_ =	shalt  }
0x71: {  	_ =	shalt  }
0x72: {  	_ =	shalt  }
0x73: {  	_ =	shalt  }
0x74: {  	_ =	shalt  }
0x75: {  	_ =	shalt  }
0x76: {  	_ =	shalt  }
0x77: {  	_ =	shalt  }
0x78: {  	_ =	shalt  }
0x79: {  	_ =	shalt  }
0x7a: {  	_ =	shalt  }
0x7b: {  	_ =	shalt  }
0x7c: {  	_ =	shalt  }
0x7d: {  	_ =	shalt  }
0x7e: {  	_ =	shalt  }
0x7f: {  	_ =	shalt  }
0x80: {  	_ =	shalt  }
0x81: {  	_ =	shalt  }
0x82: {  	_ =	shalt  }
0x83: {  	_ =	shalt  }
0x84: {  	_ =	shalt  }
0x85: {  	_ =	shalt  }
0x86: {  	_ =	shalt  }
0x87: {  	_ =	shalt  }
.Lfunc_end0:
.L_simem_size_0:
called_computation_lowered:
.L_overlay_start_0:
0x88: {  	s2 =	sld [smem:$0x3FD9]  }
0x89: {  	s3 =	sld [smem:$0x3FFE];
	_ =	sdelay $0x1  }
0x8a: {  	s1 =	srdreg.scid  }
0x8b: {  	s0 =	sand.u32 $0x1, s1  }
0x8c: {  	s17 =	sshll.u32 s0, $0xA;
	s2 =	sadd.s32 s3, s2  }
0x8d: {  	s2 =	sadd.s32 s2, s17  }
0x8e: {  	[smem:$0x3FC2] =	sst s2  }
0x8f: {  	_ = 	snop  }
0x90: {  	s2 =	sld [smem:$0x3FC9]  }
0x91: {  	s18 =	sld [smem:$0x3FD0];
	(tm) =	ssettm $0x1  }
0x92: {  	s4 =	sld [smem:$0x3FFB];
	_ =	sdelay $0x3  }
0x93: {  	_ =	strace s4  }
0x94: {  	s4 =	sld [smem:$0x3FFC];
	_ =	sdelay $0x3  }
0x95: {  	_ =	strace s4  }
0x96: {  	s4 =	sld [smem:$0x3FFD];
	_ =	sdelay $0x3  }
0x97: {  	_ =	strace s4  }
0x98: {  	_ =	strace $0x8FFFFFFF  }
0x99: {  	s19 =	sld [smem:$0x3FDB];
	_ =	sdelay $0x1  }
0x9a: {  	s5 =	simm.s32 $_scs_section_size  }
0x9b: {  	s6 =	simm.s32 $_size__tile_overlayer_lowered;
	s7 =	simm.s32 $_tile_overlayer_lowered  }
0x9c: {  	s22 =	simm.s32 $0x1BFF;
	s21 =	sshll.u32 s7, $0x1;
	s4 =	sadd.s32 s5, s19  }
0x9d: {  	s8 =	simm.s32 $0x0;
	s20 =	sshll.u32 s6, $0x1;
	s6 =	sadd.s32 s21, s4  }
0x9e: {  	[timem:s8], [sflag:s22] =	dma.local [hbm:s6], s20  }
0x9f: {  	_ =	swait.ge [sflag:s22], s20  }
0xa0: {  	s5 =	ssub.s32 $0x0, s20;
	[sflag:s22] =	ssyncset.done $0x0  }
0xa1: {  	[sflag:s22] =	ssyncadd.s32 s5;
	_ =	sdelay $0x1  }
0xa2: {  	s23 =	simm.s32 $0x1B8B  }
0xa3: {  	_ =	swait.ge [sflag:s23], $0x1  }
0xa4: {  	[sflag:s23] =	ssyncset.done $0x0  }
0xa5: {  	s25 =	simm.s32 $0x1B8E;
	s24 =	sld [smem:$0x3FFE];
	[sflag:s23] =	ssyncadd.s32 $0xFFFFFFFF  }
0xa6: {  	s26 =	simm.s32 $execute0_lowered;
	[smem:$0x3FD2] =	sst s25  }
0xa7: {  	s6 =	sshll.u32 s26, $0x1;
	_ =	strace $0x80000046;
	[dreg:$0x1] =	wrdreg $0xFFFFFFFF  }
0xa8: {  	s28 =	simm.s32 $_size_execute0_lowered;
	s4 =	sadd.s32 s4, s6;
	[dreg:$0x0] =	wrdreg $0x0  }
0xa9: {  	s6 =	sshll.u32 s28, $0x1;
	[dreg:$0x2] =	wrdreg s4  }
0xaa: {  	[dreg:$0x3] =	wrdreg s6  }
0xab: {  	[dreg:$0x4] =	wrdreg $0xC0  }
0xac: {  	_ =	task [dreg:s8], $0x5FFFF  }
0xad: {  	[dreg:$0x1] =	wrdreg $0xFFFFFFFF  }
0xae: {  	[dreg:$0x0] =	wrdreg $0x60  }
0xaf: {  	[dreg:$0x2] =	wrdreg s2  }
0xb0: {  	[dreg:$0x3] =	wrdreg s24  }
0xb1: {  	[dreg:$0x4] =	wrdreg s18  }
0xb2: {  	[dreg:$0x5] =	wrdreg $0x9  }
0xb3: {  	_ =	task.clear_ibuf [dreg:s8], $0x6FFFF;
	_ =	strace $0x90000046  }
0xb4: {  	s29 =	simm.s32 $0x9;
	_ =	strace $0x80000048  }
0xb5: {  	_ =	swait.ge [sflag:s29], $0x1  }
0xb6: {  	[sflag:s29] =	ssyncadd.s32 $0xFFFFFFFF  }
0xb7: {  	_ =	strace $0x90000048  }
0xb8: {  	_ =	sfence  }
0xb9: {  	s30 =	sld [smem:$0x0];
	_ =	sdelay $0x2  }
0xba: {  	s31 =	sshll.u32 s1, $0xD;
	s1 =	sshrl.u32 s1, $0x2  }
0xbb: {  	s3 =	sand.u32 $0x4000, s31;
	s1 =	sadd.s32 s1, s30  }
0xbc: {  	s0 =	sor.u32 s3, s0;
	s1 =	sshll.u32 s1, $0x11  }
0xbd: {  	s0 =	sor.u32 s1, s0  }
0xbe: {  	s0 =	sadd.s32 $0x8F2B, s0  }
0xbf: {  	[sflag:s0] =	ssyncadd.remote.s32 $0x1  }
0xc0: {  	_ =	sfence.sel $0xFFFF  }
0xc1: {  	[dreg:$0x0] =	wrdreg $0xFFFFFFFF;
	(pc) =	sbr.abs _section_cstart, $3  }
0xc2: {  	[dreg:$0x1] =	wrdreg $0xFFFFFFFF  }
0xc3: {  	_ =	task.clear_ibuf [dreg:s8], $0x2FFFF;
	_ =	strace $0x9FFFFFFF  }
0xc4: {  	(tm) =	ssettm $0x7FFFFFFF  }
0xc5: {  	_ =	shalt  }
tec
execute0_lowered:
.L_overlay_start_1:
0x0: {  	(tag) =	ssettag $0x1  }
0x1: {  	s0 =	srdreg.scid  }
0x2: {  	s1 =	sshll.u32 s0, $0x4  }
0x3: {  	s0 =	stileid.u32;
	s1 =	sand.u32 $0x10, s1  }
0x4: {  	s2 =	sor.u32 s0, s1  }
0x5: {  	s3 =	smin.u32 s2, $0x10  }
0x6: {  	s1 =	sshrl.u32 s1, $0x4;
	s2 =	sadd.s32 s2, s3  }
0x7: {  	s1 =	ssub.s32 s2, s1  }
0x8: {  	s1 =	smul.u32 $0x28, s1;
	_ =	sdelay $0x1  }
0x9: {  	s2 =	smul.u32 $0x28, s2;
	s1 =	sadd.s32 $0x50, s1  }
0xa: {  	s3 =	smin.u32 s1, $0x780  }
0xb: {  	s7 =	ssub.s32 s3, s2  }
0xc: {  	p0 =	sgt.s32 s7, $0x0  }
0xd: {  	s4 =	rddreg [dreg:$0x0];
	s7 =	simm.s32 @!p0 $0x0  }
0xe: {  	s9 =	rddreg [dreg:$0x1];
	s31 =	smul.u32 $0xCCCD, s7  }
0xf: {  	s5 =	rddreg [dreg:$0x2]  }
0x10: {  	s6 =	simm.s32 $0x1;
	s11 =	simm.s32 $0x3;
	s8 =	sshrl.u32 s31, $0x15  }
0x11: {  	s13 =	simm.s32 $0x0;
	s12 =	simm.s32 $0x0;
	s10 =	smul.u32 $0x28, s8  }
.Ltmp0:
0x12: {  	s9 =	sadd.s32 $0x800, s9;
	s1 =	rddreg [dreg:$0x3];
	(pc) =	sbr.rel .LBB2_1-.Ltmp0, $4  }
0x13: {  	_ =	strace $0x80000047;
	p0 =	sne.s32 s7, s10;
	s10 =	simm.s32 $0x1  }
0x14: {  	[sflag:s6] =	ssyncpa.u1 $0x0;
	s7 =	simm.s32 $0x2;
	s10 =	simm.s32 @!p0 $0x0  }
0x15: {  	[sflag:s7] =	ssyncpa.u1 $0x0;
	p0 =	por $0x0, $0x0;
	s8 =	sadd.s32 s8, s10  }
0x16: {  	vm0 =	vmmov $0xff;
	vm1 =	vcmask $0x3F20;
	[sflag:s11] =	ssyncpa.u1 $0x0;
	s11 =	smov.u32 s2;
	s10 =	sadd.s32 $0x1, s8  }
.LBB2_10:
0x17: {  	[hbm:s17] =	stream.linear.scatter [tilespmem:s14], [sflag:$0x3], $0x800, $0x38;
	[tilespmem:$0x5050] =	vst v63  }
.LBB2_11:
0x18: {  	s13 =	sadd.s32 $0x28, s11  }
0x19: {  	s15 =	smov.u32 s2;
	p2 =	slt.s32 s13, s3  }
0x1a: {  	s15 =	smov.u32 @p2 s13;
	p2 =	sne.s32 s12, s10  }
.Ltmp1:
0x1b: {  	p1 =	slt.u32 s12, $0x2;
	(pc) =	sbr.rel @!p2 .LBB2_12-.Ltmp1, $4  }
0x1c: {  	s14 =	simm.s32 @!p1 $0x3  }
0x1d: {  	s16 =	sadd.s32 $0x1, s12;
	_ =	swait.ge @!p1 [sflag:s14], $0x2800  }
0x1e: {  	p0 =	por !p0, !p0;
	s13 =	smov.u32 s11;
	[sflag:s14] =	ssyncset.done @!p1 $0x0  }
0x1f: {  	s12 =	smov.u32 s16;
	s11 =	smov.u32 s15;
	[sflag:s14] =	ssyncadd.s32 @!p1 $0xFFFFD800  }
.LBB2_1:
0x20: {  	p1 =	sge.u32 s12, s8  }
0x21: {  	s14 =	sxor.u32 @!p1 $0xFFFFFFFF, s12  }
0x22: {  	s14 =	sand.u32 @!p1 $0x1, s14  }
0x23: {  	s14 =	smul.u32 @!p1 $0xA0, s14  }
0x24: {  	s31 =	sadd.s32 $0xFFFFFFFF, s12;
	s15 =	sshrl.u32 @!p1 s11, $0x3  }
0x25: {  	s16 =	sand.u32 @!p1 $0x7, s11;
	s15 =	sadd.s32 @!p1 s9, s15;
	s14 =	sshrl.u32 @!p1 s14, $0x2  }
0x26: {  	[tilespmem:s14], [sflag:$0x2] =	stream.linear.gather @!p1 [hbm4b:s15+s16], $0x28, $0x38;
	[tilespmem:$0x5050] =	vst v63  }
0x27: {  	p1 =	sge.u32 s31, s8  }
.Ltmp2:
0x28: {  	_ = 	snop;
	(pc) =	sbr.rel @p1 .LBB2_11-.Ltmp2, $1  }
0x29: {  	_ =	sdelay $0x3  }
0x2a: {  	s15 =	sand.u32 $0x1, s12  }
0x2b: {  	s14 =	simm.s32 $0x1;
	s16 =	smul.u32 $0xA0, s15  }
0x2c: {  	s14 =	simm.s32 @!p0 $0x0;
	s15 =	smul.u32 $0xA000, s15  }
0x2d: {  	_ =	swait.ge [sflag:s7], $0x28;
	s14 =	smul.u32 $0xA000, s14  }
0x2e: {  	s17 =	simm.s32 $0x0;
	p2 =	por $0x1, $0x1;
	[sflag:s7] =	ssyncset.done $0x0  }
0x2f: {  	[sflag:s7] =	ssyncadd.s32 $0xFFFFFFD8;
	s15 =	sshrl.u32 s15, $0x2;
	s14 =	sshrl.u32 s14, $0x2  }
0x30: {  	s16 =	sshrl.u32 s16, $0x2;
	s15 =	sor.u32 $0x50, s15;
	s14 =	sor.u32 $0x50, s14  }
.LBB2_3:
0x31: {  	s18 =	sshll.u32 s17, $0x4  }
0x32: {  	s18 =	sand.u32 $0x3FFFFFF0, s18  }
0x33: {  	s18 =	sadd.s32 s18, s16  }
0x34: {  	v0 =	vld.msk [tilespmem:s18+$0x0 ss:$0x1], $0xffff;
	_ =	sdelay $0x4  }
0x35: {  	vm2 =	vgt.s32 v0, $0x0  }
0x36: {  	v0 =	vnsel vm2, $0x0, v0  }
0x37: {  	v0 =	vmin.u32 v0, $0x3FF  }
0x38: {  	s31 =	sshll.u32 s17, $0xC;
	v1 =	vshll.u32 v0, $0x5;
	v0 =	vshll.u32 v0, $0x4  }
0x39: {  	p1 =	por p2, p2;
	s17 =	sand.u32 $0x3FFFF000, s31;
	v1 =	vand.u32 $0x7F00, v1;
	v0 =	vand.u32 $0x70, v0  }
0x3a: {  	p2 =	por $0x1, $0x1;
	s17 =	sadd.s32 s17, s15;
	s18 =	simm.s32 $0x0;
	v0 =	vor.u32 v0, v1  }
.LBB2_4:
0x3b: {  	_ =	sdelay $0x1  }
0x3c: {  	s18 =	sshra.s32 s18, $0x2;
	p3 =	por p2, p2  }
.Ltmp3:
0x3d: {  	s18 =	sadd.s32 s18, s17;
	(pc) =	sbr.rel @p3 .LBB2_4-.Ltmp3, $4  }
0x3e: {  	[tilespmem:s18], [sflag:$0x1] =	stream.indirect_vreg.gather [hbm:s4], $0x80, v0, vm0, $0x38;
	[tilespmem:$0x5050] =	vst v63  }
0x3f: {  	s18 =	sadd.s32 $0x800, s18  }
0x40: {  	[tilespmem:s18], [sflag:$0x1] =	stream.indirect_vreg.gather [hbm:s4], $0x80, v0, vm1, $0x38;
	[tilespmem:$0x5050] =	vst v63  }
0x41: {  	p2 =	por $0x0, $0x0;
	v0 =	vadd.s32 $0x80, v0;
	s18 =	simm.s32 $0x1000  }
.Ltmp4:
0x42: {  	(pc) =	sbr.rel @p1 .LBB2_3-.Ltmp4, $2  }
0x43: {  	_ =	sdelay $0x2  }
0x44: {  	s17 =	simm.s32 $0x1;
	p2 =	por $0x0, $0x0  }
0x45: {  	v0 =	vld.msk [tilespmem:s16+$0x20 ss:$0x1], $0xff;
	_ =	sdelay $0x4  }
0x46: {  	vm2 =	vgt.s32 v0, $0x0  }
0x47: {  	v0 =	vnsel vm2, $0x0, v0  }
0x48: {  	v0 =	vmin.u32 v0, $0x3FF  }
0x49: {  	v1 =	vshll.u32 v0, $0x5;
	v0 =	vshll.u32 v0, $0x4  }
0x4a: {  	v1 =	vand.u32 $0x7F00, v1;
	v0 =	vand.u32 $0x70, v0  }
0x4b: {  	s16 =	simm.s32 $0x0;
	p1 =	por $0x1, $0x1;
	v0 =	vor.u32 v0, v1  }
.LBB2_7:
0x4c: {  	p2 =	por p1, p1  }
.Ltmp5:
0x4d: {  	s16 =	sshra.s32 s16, $0x2;
	(pc) =	sbr.rel @p2 .LBB2_7-.Ltmp5, $4  }
0x4e: {  	s16 =	sadd.s32 s16, s15  }
0x4f: {  	s16 =	sadd.s32 $0x2000, s16  }
0x50: {  	[tilespmem:s16], [sflag:$0x1] =	stream.indirect_vreg.gather [hbm:s4], $0x80, v0, vm0, $0x38;
	[tilespmem:$0x5050] =	vst v63  }
0x51: {  	p1 =	por $0x0, $0x0;
	v0 =	vadd.s32 $0x80, v0;
	s16 =	simm.s32 $0x1000  }
0x52: {  	s15 =	sshll.u32 s13, $0x5  }
0x53: {  	s31 =	sshll.u32 s13, $0x4;
	s15 =	sand.u32 $0xFFFFFF00, s15  }
0x54: {  	_ =	swait.ge [sflag:s6], $0x2800;
	s13 =	sand.u32 $0x70, s31;
	s15 =	sadd.s32 s15, s5  }
0x55: {  	s16 =	sadd.s32 $0x800, s14;
	[sflag:s6] =	ssyncset.done $0x0;
	s13 =	sadd.s32 s13, s15  }
0x56: {  	[sflag:s6] =	ssyncadd.s32 $0xFFFFD800;
	s15 =	simm.s32 $0x100;
	s17 =	sadd.s32 $0x0, s13  }
.LBB2_9:
0x57: {  	[hbm:s17] =	stream.linear.scatter [tilespmem:s14], [sflag:$0x3], $0x800, $0x38;
	[tilespmem:$0x5050] =	vst v63  }
0x58: {  	s17 =	smov.u32 s15;
	s14 =	smov.u32 s16;
	p1 =	sne.s32 s15, $0x400  }
.Ltmp6:
0x59: {  	s15 =	sadd.s32 $0x100, s15;
	(pc) =	sbr.rel @p1 .LBB2_9-.Ltmp6, $2  }
0x5a: {  	_ =	sdelay $0x2  }
0x5b: {  	s16 =	sadd.s32 $0x800, s16;
	s17 =	sadd.s32 s17, s13  }
.Ltmp7:
0x5c: {  	_ = 	snop;
	(pc) =	sbr.rel .LBB2_10-.Ltmp7, $1  }
0x5d: {  	_ =	sdelay $0x3  }
.LBB2_12:
0x5e: {  	_ =	sfence.sel $0x180000  }
0x5f: {  	s2 =	simm.s32 $0x2;
	[bflag:$0x0] =	sbarrier.arrive $0xFFFF  }
0x60: {  	s30 =	simm.s32 $0x3;
	[sflag:s2] =	ssyncpa.u1 $0x1  }
0x61: {  	s31 =	simm.s32 $0x1;
	[sflag:s30] =	ssyncpa.u1 $0x1  }
0x62: {  	[sflag:s31] =	ssyncpa.u1 $0x1  }
0x63: {  	p0 =	sne.s32 s0, $0x0;
	_ =	strace $0x90000047  }
0x64: {  	s0 =	sadd.s32 @!p0 $0x100000, s1;
	[bflag:$0x2] =	sbarrier.arrive $0xFFFF  }
0x65: {  	[sflag:s0] =	ssyncadd.tile.s32 @!p0 $0x1;
	_ =	shalt  }
.Lfunc_end2:
_tile_overlayer_lowered:
.L_overlay_start_2:
0x66: {  	(tag) =	ssettag $0x2  }
0x67: {  	s0 =	rddreg [dreg:$0x0];
	s2 =	stileid.u32  }
0x68: {  	s1 =	rddreg [dreg:$0x1];
	p0 =	sne.s32 s2, $0x0  }
0x69: {  	s3 =	rddreg [dreg:$0x2];
	[bflag:$0x3] =	sbarrier.arrive $0xFFFF;
	s2 =	simm.s32 @!p0 $0x1C01  }
0x6a: {  	[timem:s3], [sflag:s2] =	dma.local @!p0 [hbm:s0], s1  }
0x6b: {  	s0 =	simm.s32 @!p0 $0x1  }
0x6c: {  	_ =	swait.ge @!p0 [sflag:s0], s1  }
0x6d: {  	s1 =	ssub.s32 @!p0 $0x0, s1;
	[sflag:s0] =	ssyncset.done @!p0 $0x0  }
0x6e: {  	[sflag:s0] =	ssyncadd.s32 @!p0 s1  }
0x6f: {  	[bflag:$0x3] =	sbarrier.arrive $0xFFFF  }
0x70: {  	_ =	shalt  }

</sc_bundles>
